<compile_context>
chip_gen: v7x
topology: tpu7x:2x2x1
jax: 0.10.2.dev20260603
libtpu: 0.0.44.dev20260713+nightly
codegen_flags: <defaults>
</compile_context>

<pallas_src>
import jax
import jax.numpy as jnp
from jax.experimental import pallas as pl

_B, _S, _D, _H = 16, 8192, 128, 4


def _dnc_body(mem_ref, ww_ref, wv_ref, ev_ref, keys_ref, st_ref, out_ref):
    mem = mem_ref[0]
    wwT = ww_ref[0]
    wvT = wv_ref[0].reshape(_D, 1)
    evT = ev_ref[0].reshape(_D, 1)
    keys = keys_ref[0]
    st = st_ref[0]

    kn = jnp.sqrt(jnp.sum(keys * keys, axis=0, keepdims=True))
    kn = jnp.maximum(kn, 1e-30)
    keys2 = keys * (st / kn)

    memT = jnp.transpose(mem)

    uT = memT + wwT * (wvT - memT * evT)
    usqT = uT * uT

    dot2T = jax.lax.dot_general(
        keys2, uT, (((0,), (0,)), ((), ())),
        preferred_element_type=jnp.float32)
    ones = jnp.ones((1, _D), dtype=jnp.float32)
    sumsqT = jnp.dot(ones, usqT, preferred_element_type=jnp.float32)

    rs = jax.lax.rsqrt(sumsqT + 1e-30)
    scoresT = dot2T * rs
    e = jnp.exp(scoresT)
    denom = jnp.sum(e, axis=1, keepdims=True)
    wT = e * (1.0 / denom)

    out_ref[0, 0:_D, :] = uT
    out_ref[0, _D:_D + _H, :] = wT


def kernel(memory_matrix, write_weight, write_vector, erase_vector, keys, strengths):
    out_t = pl.pallas_call(
        _dnc_body,
        grid=(_B,),
        in_specs=[
            pl.BlockSpec((1, _S, _D), lambda b: (b, 0, 0)),
            pl.BlockSpec((1, 1, _S), lambda b: (b, 0, 0)),
            pl.BlockSpec((1, 1, _D), lambda b: (b, 0, 0)),
            pl.BlockSpec((1, 1, _D), lambda b: (b, 0, 0)),
            pl.BlockSpec((1, _D, _H), lambda b: (b, 0, 0)),
            pl.BlockSpec((1, 1, _H), lambda b: (b, 0, 0)),
        ],
        out_specs=pl.BlockSpec((1, _D + _H, _S), lambda b: (b, 0, 0)),
        out_shape=jax.ShapeDtypeStruct((_B, _D + _H, _S), jnp.float32),
    )(
        memory_matrix,
        write_weight[:, None, :],
        write_vector[:, None, :],
        erase_vector[:, None, :],
        keys,
        strengths[:, None, :],
    )
    return jnp.transpose(out_t, (0, 2, 1))

# --- scband reference (transcript-rebuilt; emitter-appended) ---
"""Pipeline reference for scband-memory-49417893707927 (READ-ONLY COPY).

The authoritative reference and input builder live on the scoring server;
editing this copy changes nothing except your own understanding.
"""

import jax, jax.numpy as jnp
import numpy as np

B, S, D, H = 16, 8192, 128, 4


def setup_inputs(seed: int = 0) -> dict:
    key = jax.random.key(seed)
    ks = jax.random.split(key, 6)
    return {
        "memory_matrix": jax.random.normal(ks[0], (B, S, D), dtype=jnp.float32),
        "write_weight": jax.random.uniform(ks[1], (B, S), dtype=jnp.float32),
        "write_vector": jax.random.normal(ks[2], (B, D), dtype=jnp.float32),
        "erase_vector": jax.random.uniform(ks[3], (B, D), dtype=jnp.float32),
        "keys": jax.random.normal(ks[4], (B, D, H), dtype=jnp.float32),
        "strengths": jax.random.uniform(ks[5], (B, H), dtype=jnp.float32),
    }


def _cosine_distance(memory, keys):
    # memory: (B, S, D), keys: (B, D, H) -> (B, S, H)
    dot = jnp.matmul(memory, keys)
    mem_norm = jnp.linalg.norm(memory, axis=2, keepdims=True)  # (B, S, 1)
    key_norm = jnp.linalg.norm(keys, axis=1, keepdims=True)    # (B, 1, H)
    return dot / (mem_norm * key_norm + 1e-8)


def reference(memory_matrix, write_weight, write_vector, erase_vector, keys, strengths):
    # update_memory: rank-1 erase + write (scatter-style weighted memory update)
    ww = write_weight[:, :, None]      # (B, S, 1)
    wv = write_vector[:, None, :]      # (B, 1, D)
    ev = erase_vector[:, None, :]      # (B, 1, D)
    erasing = memory_matrix * (1.0 - jnp.matmul(ww, ev))
    writing = jnp.matmul(ww, wv)
    updated_memory = erasing + writing  # (B, S, D)

    # get_content_address: cosine similarity lookup on the updated memory
    cos_dist = _cosine_distance(updated_memory, keys)   # (B, S, H)
    st = strengths[:, None, :]                          # (B, 1, H)
    lookup_weights = jax.nn.softmax(cos_dist * st, axis=1)  # (B, S, H)

    # pack outputs into one array: (B, S, D + H)
    return jnp.concatenate([updated_memory, lookup_weights], axis=-1)

if __name__ == "__main__":
    import jax
    _d = setup_inputs()
    print(jax.jit(kernel)(*tuple(_d.values())))

</pallas_src>

<mosaic_0001>
module attributes {stable_mosaic.version = 14 : i64} {
  func.func @_dnc_body(%arg0: i32, %arg1: memref<1x8192x128xf32, #tpu.memory_space<vmem>>, %arg2: memref<1x1x8192xf32, #tpu.memory_space<vmem>>, %arg3: memref<1x1x128xf32, #tpu.memory_space<vmem>>, %arg4: memref<1x1x128xf32, #tpu.memory_space<vmem>>, %arg5: memref<1x128x4xf32, #tpu.memory_space<vmem>>, %arg6: memref<1x1x4xf32, #tpu.memory_space<vmem>>, %arg7: memref<1x132x8192xf32, #tpu.memory_space<vmem>>) attributes {dimension_semantics = [#tpu.dimension_semantics<arbitrary>], iteration_bounds = array<i64: 16>, scalar_prefetch = 0 : i64, scratch_operands = 0 : i64, tpu.core_type = #tpu.core_type<tc>, window_params = [{transform_indices = @transform_0, window_bounds = array<i64: 1, 8192, 128>}, {transform_indices = @transform_1, window_bounds = array<i64: 1, 1, 8192>}, {transform_indices = @transform_2, window_bounds = array<i64: 1, 1, 128>}, {transform_indices = @transform_3, window_bounds = array<i64: 1, 1, 128>}, {transform_indices = @transform_4, window_bounds = array<i64: 1, 128, 4>}, {transform_indices = @transform_5, window_bounds = array<i64: 1, 1, 4>}, {transform_indices = @transform_6, window_bounds = array<i64: 1, 132, 8192>}]} {
    %get3A = arith.constant 0 : index
    %get3A_0 = arith.constant 0 : index
    %get3A_1 = arith.constant 0 : index
    %get3A_2 = vector.load %arg1[%get3A, %get3A_0, %get3A_1] : memref<1x8192x128xf32, #tpu.memory_space<vmem>>, vector<1x8192x128xf32>
    %get3A_3 = vector.shape_cast %get3A_2 : vector<1x8192x128xf32> to vector<8192x128xf32>
    %get3A_4 = arith.constant 0 : index
    %get3A_5 = arith.constant 0 : index
    %get3A_6 = arith.constant 0 : index
    %get3A_7 = vector.load %arg2[%get3A_4, %get3A_5, %get3A_6] : memref<1x1x8192xf32, #tpu.memory_space<vmem>>, vector<1x1x8192xf32>
    %get3A_8 = vector.shape_cast %get3A_7 : vector<1x1x8192xf32> to vector<1x8192xf32>
    %get3A_9 = arith.constant 0 : index
    %get3A_10 = arith.constant 0 : index
    %get3A_11 = arith.constant 0 : index
    %get3A_12 = vector.load %arg3[%get3A_9, %get3A_10, %get3A_11] : memref<1x1x128xf32, #tpu.memory_space<vmem>>, vector<1x1x128xf32>
    %get3A_13 = vector.shape_cast %get3A_12 : vector<1x1x128xf32> to vector<1x128xf32>
    %reshape3A = vector.shape_cast %get3A_13 : vector<1x128xf32> to vector<128x1xf32>
    %get3A_14 = arith.constant 0 : index
    %get3A_15 = arith.constant 0 : index
    %get3A_16 = arith.constant 0 : index
    %get3A_17 = vector.load %arg4[%get3A_14, %get3A_15, %get3A_16] : memref<1x1x128xf32, #tpu.memory_space<vmem>>, vector<1x1x128xf32>
    %get3A_18 = vector.shape_cast %get3A_17 : vector<1x1x128xf32> to vector<1x128xf32>
    %reshape3A_19 = vector.shape_cast %get3A_18 : vector<1x128xf32> to vector<128x1xf32>
    %get3A_20 = arith.constant 0 : index
    %get3A_21 = arith.constant 0 : index
    %get3A_22 = arith.constant 0 : index
    %get3A_23 = vector.load %arg5[%get3A_20, %get3A_21, %get3A_22] : memref<1x128x4xf32, #tpu.memory_space<vmem>>, vector<1x128x4xf32>
    %get3A_24 = vector.shape_cast %get3A_23 : vector<1x128x4xf32> to vector<128x4xf32>
    %get3A_25 = arith.constant 0 : index
    %get3A_26 = arith.constant 0 : index
    %get3A_27 = arith.constant 0 : index
    %get3A_28 = vector.load %arg6[%get3A_25, %get3A_26, %get3A_27] : memref<1x1x4xf32, #tpu.memory_space<vmem>>, vector<1x1x4xf32>
    %get3A_29 = vector.shape_cast %get3A_28 : vector<1x1x4xf32> to vector<1x4xf32>
    %mul3A = arith.mulf %get3A_24, %get3A_24 : vector<128x4xf32>
    %reduce_sum3A = arith.constant dense<0.000000e+00> : vector<4xf32>
    %reduce_sum3A_30 = vector.multi_reduction <add>, %mul3A, %reduce_sum3A [0] : vector<128x4xf32> to vector<4xf32>
    %broadcast_in_dim3A = vector.shape_cast %reduce_sum3A_30 : vector<4xf32> to vector<1x4xf32>
    %sqrt3A = math.sqrt %broadcast_in_dim3A : vector<1x4xf32>
    %max3A = arith.constant 1.000000e-30 : f32
    %max3A_31 = vector.broadcast %max3A : f32 to vector<1x4xf32>
    %max3A_32 = arith.maximumf %sqrt3A, %max3A_31 : vector<1x4xf32>
    %div3A = arith.divf %get3A_29, %max3A_32 : vector<1x4xf32>
    %mul3A_33 = vector.broadcast %div3A : vector<1x4xf32> to vector<128x4xf32>
    %mul3A_34 = arith.mulf %get3A_24, %mul3A_33 : vector<128x4xf32>
    %transpose3A = tpu.transpose %get3A_3, [1, 0] : vector<8192x128xf32> -> vector<128x8192xf32>
    %mul3A_35 = vector.broadcast %reshape3A_19 : vector<128x1xf32> to vector<128x8192xf32>
    %mul3A_36 = arith.mulf %transpose3A, %mul3A_35 : vector<128x8192xf32>
    %sub3A = vector.broadcast %reshape3A : vector<128x1xf32> to vector<128x8192xf32>
    %sub3A_37 = arith.subf %sub3A, %mul3A_36 : vector<128x8192xf32>
    %mul3A_38 = vector.broadcast %get3A_8 : vector<1x8192xf32> to vector<128x8192xf32>
    %mul3A_39 = arith.mulf %mul3A_38, %sub3A_37 : vector<128x8192xf32>
    %add3A = arith.addf %transpose3A, %mul3A_39 : vector<128x8192xf32>
    %mul3A_40 = arith.mulf %add3A, %add3A : vector<128x8192xf32>
    %dot_general3A = arith.constant dense<0.000000e+00> : vector<4x8192xf32>
    %dot_general3A_41 = tpu.matmul %mul3A_34, %add3A, %dot_general3A {dimension_numbers = #tpu.dot_dimension_numbers<[0], [0], [1], [1], [0, 1, 1, 1], [], []>, transpose_lhs_hint = false} : vector<128x4xf32>, vector<128x8192xf32>, vector<4x8192xf32> -> vector<4x8192xf32>
    %broadcast_in_dim3A_42 = arith.constant 1.000000e+00 : f32
    %broadcast_in_dim3A_43 = vector.broadcast %broadcast_in_dim3A_42 : f32 to vector<1x128xf32>
    %dot_general3A_44 = arith.constant dense<0.000000e+00> : vector<1x8192xf32>
    %dot_general3A_45 = tpu.matmul %broadcast_in_dim3A_43, %mul3A_40, %dot_general3A_44 {dimension_numbers = #tpu.dot_dimension_numbers<[1], [0], [0], [1], [0, 0, 1, 1], [], []>, transpose_lhs_hint = false} : vector<1x128xf32>, vector<128x8192xf32>, vector<1x8192xf32> -> vector<1x8192xf32>
    %add3A_46 = arith.constant 1.000000e-30 : f32
    %add3A_47 = vector.broadcast %add3A_46 : f32 to vector<1x8192xf32>
    %add3A_48 = arith.addf %dot_general3A_45, %add3A_47 : vector<1x8192xf32>
    %rsqrt3A = math.rsqrt %add3A_48 : vector<1x8192xf32>
    %mul3A_49 = vector.broadcast %rsqrt3A : vector<1x8192xf32> to vector<4x8192xf32>
    %mul3A_50 = arith.mulf %dot_general3A_41, %mul3A_49 : vector<4x8192xf32>
    %exp3A = math.exp %mul3A_50 : vector<4x8192xf32>
    %reduce_sum3A_51 = arith.constant dense<0.000000e+00> : vector<4xf32>
    %reduce_sum3A_52 = vector.multi_reduction <add>, %exp3A, %reduce_sum3A_51 [1] : vector<4x8192xf32> to vector<4xf32>
    %broadcast_in_dim3A_53 = vector.shape_cast %reduce_sum3A_52 : vector<4xf32> to vector<4x1xf32>
    %div3A_54 = arith.constant 1.000000e+00 : f32
    %div3A_55 = vector.broadcast %div3A_54 : f32 to vector<4x1xf32>
    %div3A_56 = arith.divf %div3A_55, %broadcast_in_dim3A_53 : vector<4x1xf32>
    %mul3A_57 = vector.broadcast %div3A_56 : vector<4x1xf32> to vector<4x8192xf32>
    %mul3A_58 = arith.mulf %exp3A, %mul3A_57 : vector<4x8192xf32>
    %swap3A = arith.constant 0 : index
    %swap3A_59 = arith.constant 0 : index
    %swap3A_60 = arith.constant 0 : index
    %swap3A_61 = vector.load %arg7[%swap3A, %swap3A_59, %swap3A_60] : memref<1x132x8192xf32, #tpu.memory_space<vmem>>, vector<1x128x8192xf32>
    %swap3A_62 = vector.shape_cast %swap3A_61 : vector<1x128x8192xf32> to vector<128x8192xf32>
    %swap3A_63 = vector.shape_cast %add3A : vector<128x8192xf32> to vector<1x128x8192xf32>
    tpu.vector_store %arg7[%swap3A, %swap3A_59, %swap3A_60], %swap3A_63 {strides = array<i32>} : memref<1x132x8192xf32, #tpu.memory_space<vmem>>, vector<1x128x8192xf32>,
    %swap3A_64 = arith.constant 0 : index
    %swap3A_65 = arith.constant 128 : index
    %swap3A_66 = arith.constant 0 : index
    %swap3A_67 = vector.load %arg7[%swap3A_64, %swap3A_65, %swap3A_66] : memref<1x132x8192xf32, #tpu.memory_space<vmem>>, vector<1x4x8192xf32>
    %swap3A_68 = vector.shape_cast %swap3A_67 : vector<1x4x8192xf32> to vector<4x8192xf32>
    %swap3A_69 = vector.shape_cast %mul3A_58 : vector<4x8192xf32> to vector<1x4x8192xf32>
    tpu.vector_store %arg7[%swap3A_64, %swap3A_65, %swap3A_66], %swap3A_69 {strides = array<i32>} : memref<1x132x8192xf32, #tpu.memory_space<vmem>>, vector<1x4x8192xf32>,
    return
  }
  func.func @transform_0(%arg0: i32) -> (i32, i32, i32) {
    %c0_i32 = arith.constant 0 : i32
    %c0_i32_0 = arith.constant 0 : i32
    %c0_i32_1 = arith.constant 0 : i32
    return %arg0, %c0_i32, %c0_i32_0 : i32, i32, i32
  }
  func.func @transform_1(%arg0: i32) -> (i32, i32, i32) {
    %c0_i32 = arith.constant 0 : i32
    %c0_i32_0 = arith.constant 0 : i32
    %c0_i32_1 = arith.constant 0 : i32
    return %arg0, %c0_i32, %c0_i32_0 : i32, i32, i32
  }
  func.func @transform_2(%arg0: i32) -> (i32, i32, i32) {
    %c0_i32 = arith.constant 0 : i32
    %c0_i32_0 = arith.constant 0 : i32
    %c0_i32_1 = arith.constant 0 : i32
    return %arg0, %c0_i32, %c0_i32_0 : i32, i32, i32
  }
  func.func @transform_3(%arg0: i32) -> (i32, i32, i32) {
    %c0_i32 = arith.constant 0 : i32
    %c0_i32_0 = arith.constant 0 : i32
    %c0_i32_1 = arith.constant 0 : i32
    return %arg0, %c0_i32, %c0_i32_0 : i32, i32, i32
  }
  func.func @transform_4(%arg0: i32) -> (i32, i32, i32) {
    %c0_i32 = arith.constant 0 : i32
    %c0_i32_0 = arith.constant 0 : i32
    %c0_i32_1 = arith.constant 0 : i32
    return %arg0, %c0_i32, %c0_i32_0 : i32, i32, i32
  }
  func.func @transform_5(%arg0: i32) -> (i32, i32, i32) {
    %c0_i32 = arith.constant 0 : i32
    %c0_i32_0 = arith.constant 0 : i32
    %c0_i32_1 = arith.constant 0 : i32
    return %arg0, %c0_i32, %c0_i32_0 : i32, i32, i32
  }
  func.func @transform_6(%arg0: i32) -> (i32, i32, i32) {
    %c0_i32 = arith.constant 0 : i32
    %c0_i32_0 = arith.constant 0 : i32
    %c0_i32_1 = arith.constant 0 : i32
    return %arg0, %c0_i32, %c0_i32_0 : i32, i32, i32
  }
}

</mosaic_0001>

<sc_bundles>
// kernel: sparse-core-data-format-call.cloned.1.call-start
scs
called_computation_lowered:
.L_overlay_start_0:
0x0: {  	s2 =	sld [smem:$0x3FD9]  }
0x1: {  	s3 =	sld [smem:$0x3FFE];
	_ =	sdelay $0x1  }
0x2: {  	s1 =	srdreg.scid  }
0x3: {  	s0 =	sand.u32 $0x1, s1  }
0x4: {  	s18 =	sshll.u32 s0, $0xA;
	s2 =	sadd.s32 s3, s2  }
0x5: {  	s2 =	sadd.s32 s2, s18  }
0x6: {  	[smem:$0x3FC2] =	sst s2  }
0x7: {  	_ = 	snop  }
0x8: {  	s2 =	sld [smem:$0x3FD0];
	(tm) =	ssettm $0x1  }
0x9: {  	s19 =	sld [smem:$0x3FFB];
	_ =	sdelay $0x3  }
0xa: {  	_ =	strace s19  }
0xb: {  	s3 =	sld [smem:$0x3FFC];
	_ =	sdelay $0x3  }
0xc: {  	_ =	strace s3  }
0xd: {  	s3 =	sld [smem:$0x3FFD];
	_ =	sdelay $0x3  }
0xe: {  	_ =	strace s3  }
0xf: {  	_ =	strace $0x8FFFFFFF  }
0x10: {  	s20 =	sld [smem:$0x3FDB];
	_ =	sdelay $0x1  }
0x11: {  	s4 =	simm.s32 $_scs_section_size  }
0x12: {  	s5 =	simm.s32 $_size__tile_overlayer_lowered;
	s6 =	simm.s32 $_tile_overlayer_lowered  }
0x13: {  	s23 =	simm.s32 $0x1BFF;
	s22 =	sshll.u32 s6, $0x1;
	s3 =	sadd.s32 s4, s20  }
0x14: {  	s7 =	simm.s32 $0x0;
	s21 =	sshll.u32 s5, $0x1;
	s5 =	sadd.s32 s22, s3  }
0x15: {  	[timem:s7], [sflag:s23] =	dma.local [hbm:s5], s21  }
0x16: {  	_ =	swait.ge [sflag:s23], s21  }
0x17: {  	s4 =	ssub.s32 $0x0, s21;
	[sflag:s23] =	ssyncset.done $0x0  }
0x18: {  	[sflag:s23] =	ssyncadd.s32 s4;
	_ =	sdelay $0x1  }
0x19: {  	s24 =	simm.s32 $0x1B8B  }
0x1a: {  	_ =	swait.ge [sflag:s24], $0x1  }
0x1b: {  	[sflag:s24] =	ssyncset.done $0x0  }
0x1c: {  	s26 =	simm.s32 $0x1B8E;
	s25 =	sld [smem:$0x3FFE];
	[sflag:s24] =	ssyncadd.s32 $0xFFFFFFFF  }
0x1d: {  	s27 =	simm.s32 $execute0_lowered;
	[smem:$0x3FD2] =	sst s26  }
0x1e: {  	s5 =	sshll.u32 s27, $0x1;
	_ =	strace $0x80000046;
	[dreg:$0x1] =	wrdreg $0xFFFFFFFF  }
0x1f: {  	s28 =	simm.s32 $_size_execute0_lowered;
	s3 =	sadd.s32 s3, s5;
	[dreg:$0x0] =	wrdreg $0x0  }
0x20: {  	s5 =	sshll.u32 s28, $0x1;
	[dreg:$0x2] =	wrdreg s3  }
0x21: {  	[dreg:$0x3] =	wrdreg s5  }
0x22: {  	[dreg:$0x4] =	wrdreg $0xC0  }
0x23: {  	_ =	task [dreg:s7], $0x5FFFF  }
0x24: {  	[dreg:$0x1] =	wrdreg $0xFFFFFFFF  }
0x25: {  	[dreg:$0x0] =	wrdreg $0x60  }
0x26: {  	[dreg:$0x2] =	wrdreg s25  }
0x27: {  	[dreg:$0x3] =	wrdreg s2  }
0x28: {  	[dreg:$0x4] =	wrdreg $0x9  }
0x29: {  	_ =	task.clear_ibuf [dreg:s7], $0x5FFFF;
	_ =	strace $0x90000046  }
0x2a: {  	s29 =	simm.s32 $0x9;
	_ =	strace $0x80000048  }
0x2b: {  	_ =	swait.ge [sflag:s29], $0x1  }
0x2c: {  	[sflag:s29] =	ssyncadd.s32 $0xFFFFFFFF  }
0x2d: {  	_ =	strace $0x90000048  }
0x2e: {  	_ =	sfence  }
0x2f: {  	s30 =	sld [smem:$0x0];
	_ =	sdelay $0x2  }
0x30: {  	s31 =	sshll.u32 s1, $0xD;
	s1 =	sshrl.u32 s1, $0x2  }
0x31: {  	s3 =	sand.u32 $0x4000, s31;
	s1 =	sadd.s32 s1, s30  }
0x32: {  	s0 =	sor.u32 s3, s0;
	s1 =	sshll.u32 s1, $0x11  }
0x33: {  	s0 =	sor.u32 s1, s0  }
0x34: {  	s0 =	sadd.s32 $0x8F2B, s0  }
0x35: {  	[sflag:s0] =	ssyncadd.remote.s32 $0x1  }
0x36: {  	_ =	sfence.sel $0xFFFF  }
0x37: {  	[dreg:$0x0] =	wrdreg $0xFFFFFFFF;
	(pc) =	sbr.abs _section_cstart, $3  }
0x38: {  	[dreg:$0x1] =	wrdreg $0xFFFFFFFF  }
0x39: {  	_ =	task.clear_ibuf [dreg:s7], $0x2FFFF;
	_ =	strace $0x9FFFFFFF  }
0x3a: {  	(tm) =	ssettm $0x7FFFFFFF  }
0x3b: {  	_ =	shalt  }
tec
execute0_lowered:
.L_overlay_start_1:
0x0: {  	(tag) =	ssettag $0x1  }
0x1: {  	s2 =	stileid.u32;
	s0 =	srdreg.scid  }
0x2: {  	s7 =	rddreg [dreg:$0x0];
	s1 =	sshll.u32 s2, $0x7;
	s0 =	sshll.u32 s0, $0xB  }
0x3: {  	_ =	strace $0x80000047;
	s2 =	sshll.u32 s2, $0x3;
	s0 =	sor.u32 s1, s0  }
0x4: {  	s31 =	simm.s32 $0x2;
	s1 =	sand.u32 $0x8, s2;
	s2 =	sand.u32 $0xF00, s0  }
0x5: {  	s18 =	simm.s32 $0x0;
	s30 =	ssub.s32 $0x10, s1;
	s3 =	ssub.s32 $0x2000, s2  }
0x6: {  	s9 =	simm.s32 $0x20000;
	s4 =	sshrl.u32 s30, $0x4;
	s5 =	sand.u32 $0xF00, s3  }
0x7: {  	s0 =	sshrl.u32 s30, $0x3;
	p0 =	sne.s32 s5, $0x0;
	s5 =	simm.s32 $0x1  }
0x8: {  	s0 =	sand.u32 $0x1, s0;
	s3 =	sshrl.u32 s3, $0xC;
	s5 =	simm.s32 @!p0 $0x0  }
0x9: {  	s10 =	simm.s32 $0x0;
	s0 =	sadd.s32 s4, s0;
	s3 =	sadd.s32 s5, s3  }
0xa: {  	s20 =	simm.s32 $0x0;
	s19 =	simm.s32 $0x0;
	s0 =	smul.u32 s3, s0  }
.Ltmp0:
0xb: {  	s11 =	simm.s32 $0x0;
	s12 =	simm.s32 $0x0;
	(pc) =	sbr.rel .LBB1_1-.Ltmp0, $4  }
0xc: {  	s13 =	simm.s32 $0x0;
	s15 =	simm.s32 $0x0;
	s17 =	simm.s32 $0x0  }
0xd: {  	s26 =	simm.s32 $0x0;
	s5 =	simm.s32 $0x1;
	s6 =	smul.u32 $0x11, s0  }
0xe: {  	s7 =	sadd.s32 $0x800, s7;
	s16 =	smov.u32 s1;
	[sflag:s5] =	ssyncpa.u1 $0x0  }
0xf: {  	s14 =	smov.u32 s2;
	[sflag:s31] =	ssyncpa.u1 $0x0;
	s8 =	sadd.s32 $0x1, s6  }
.LBB1_7:
0x10: {  	p0 =	slt.u32 s17, $0x2  }
0x11: {  	s0 =	smov.u32 s20;
	p1 =	sgt.s32 @!p0 s20, $0x7C  }
0x12: {  	s4 =	smov.u32 s19;
	s3 =	sshra.s32 @!p0 s20, $0x1F;
	p1 =	por !p1, p0  }
0x13: {  	s3 =	sand.u32 @!p0 s3, s20;
	s0 =	simm.s32 @p1 $0x7C;
	p1 =	sgt.s32 @!p0 s19, $0x8  }
0x14: {  	s20 =	sshra.s32 @!p0 s19, $0x1F;
	p1 =	por !p1, p0;
	s0 =	ssub.s32 @!p0 s0, s3  }
0x15: {  	s3 =	sand.u32 @!p0 s20, s19;
	s4 =	simm.s32 @p1 $0x8;
	s19 =	sadd.s32 @!p0 $0xFFFFFF84, s0  }
0x16: {  	p1 =	sgt.s32 @!p0 s18, $0x1F00;
	s3 =	ssub.s32 @!p0 s4, s3;
	p2 =	sgt.s32 @!p0 s19, $0x7  }
0x17: {  	p1 =	por !p1, p0;
	s19 =	smov.u32 s18;
	s4 =	sadd.s32 @!p0 $0xFFFFFFF8, s3  }
0x18: {  	s19 =	simm.s32 @p1 $0x1F00;
	p1 =	sgt.s32 @!p0 s4, $0x7;
	s4 =	sshra.s32 @!p0 s18, $0x1F  }
0x19: {  	s0 =	ssub.s32 @!p0 $0x84, s0;
	p2 =	por !p2, p0;
	s4 =	sand.u32 @!p0 s4, s18  }
0x1a: {  	s3 =	ssub.s32 @!p0 $0x10, s3;
	p1 =	por !p1, p0;
	s4 =	ssub.s32 @!p0 s19, s4  }
0x1b: {  	s0 =	simm.s32 @!p2 $0x0;
	s3 =	simm.s32 @!p1 $0x0;
	s18 =	sadd.s32 @!p0 $0xFFFFE100, s4  }
0x1c: {  	s21 =	smov.u32 s15;
	s0 =	smul.u32 @!p0 s3, s0;
	p1 =	sgt.s32 @!p0 s18, $0xFF  }
0x1d: {  	s3 =	ssub.s32 @!p0 $0x2000, s4;
	s4 =	sadd.s32 $0x1000, s14;
	p1 =	por !p1, p0  }
0x1e: {  	s18 =	sadd.s32 $0x8, s15;
	s3 =	simm.s32 @!p1 $0x0;
	p1 =	sgt.s32 s4, $0x1FFF  }
0x1f: {  	s22 =	smov.u32 s16;
	s21 =	smov.u32 @p1 s18  }
0x20: {  	s0 =	smul.u32 @!p0 s3, s0;
	s3 =	sadd.s32 $0x10, s16;
	p2 =	sgt.s32 s21, $0x83  }
0x21: {  	s10 =	sadd.s32 $0x4000, s10;
	s20 =	smov.u32 s12;
	s22 =	smov.u32 @p2 s3  }
0x22: {  	s12 =	smov.u32 s15;
	s4 =	smov.u32 @p1 s2;
	p1 =	sgt.s32 s22, $0xF  }
0x23: {  	s19 =	smov.u32 s13;
	s22 =	smov.u32 @p1 s1;
	p1 =	sne.s32 s17, s8  }
.Ltmp1:
0x24: {  	s13 =	smov.u32 s16;
	s18 =	smov.u32 s11;
	(pc) =	sbr.rel @!p1 .LBB1_8-.Ltmp1, $4  }
0x25: {  	s11 =	smov.u32 s14;
	s0 =	sand.u32 @!p0 $0x3FFFFFFF, s0;
	s3 =	simm.s32 @!p0 $0x2  }
0x26: {  	s14 =	smov.u32 s4;
	s21 =	simm.s32 @p2 $0x0;
	_ =	swait.ge @!p0 [sflag:s3], s0  }
0x27: {  	s0 =	ssub.s32 @!p0 $0x0, s0;
	s15 =	smov.u32 s21;
	[sflag:s3] =	ssyncset.done @!p0 $0x0  }
0x28: {  	s17 =	sadd.s32 $0x1, s17;
	[sflag:s3] =	ssyncadd.s32 @!p0 s0;
	s16 =	smov.u32 s22  }
.LBB1_1:
0x29: {  	p0 =	sge.u32 s17, s6  }
0x2a: {  	s0 =	sshll.u32 @!p0 s15, $0xD  }
0x2b: {  	s3 =	sshll.u32 @!p0 s14, $0x3;
	s0 =	sand.u32 @!p0 $0xFFFF0000, s0  }
0x2c: {  	s0 =	sadd.s32 @!p0 s0, s3  }
0x2d: {  	s31 =	sadd.s32 $0xFFFFFFFF, s17;
	s22 =	sshll.u32 @!p0 s15, $0x7;
	s0 =	sshrl.u32 @!p0 s0, $0xD  }
0x2e: {  	s23 =	sand.u32 @!p0 $0x78, s14;
	s22 =	sand.u32 @!p0 $0x380, s22;
	s21 =	smulhi.u32 @!p0 $0x1E1E1E2, s0  }
0x2f: {  	s4 =	sxor.u32 @!p0 $0xFFFFFFFF, s17;
	s22 =	sor.u32 @!p0 s22, s23;
	s23 =	smul.u32 @!p0 $0x22000, s16  }
0x30: {  	s4 =	sshll.u32 @!p0 s4, $0xE;
	s3 =	sand.u32 @!p0 $0x1C00, s3;
	s21 =	smul.u32 @!p0 $0x88, s21  }
0x31: {  	s4 =	sand.u32 @!p0 $0x4000, s4;
	s3 =	sor.u32 @!p0 s3, s22;
	s22 =	sand.u32 @!p0 $0x7, s14  }
0x32: {  	s3 =	sshrl.u32 @!p0 s3, $0x3;
	s0 =	ssub.s32 @!p0 s0, s21;
	s21 =	sadd.s32 @!p0 s7, s23  }
0x33: {  	s0 =	sshll.u32 @!p0 s0, $0xA;
	s3 =	sadd.s32 @!p0 s3, s21;
	s21 =	sshll.u32 @!p0 s22, $0x12  }
0x34: {  	s0 =	sadd.s32 @!p0 s0, s3;
	s3 =	sor.u32 @!p0 $0x800, s21;
	s21 =	simm.s32 @!p0 $0x110000  }
0x35: {  	[tilespmem:s4], [sflag:$0x1] =	stream.strided.gather @!p0 [hbm4b:s0+s3], $0x4000, s21, s3, $0x38;
	[tilespmem:$0x10000] =	vst v63  }
0x36: {  	p0 =	sge.u32 s31, s6  }
.Ltmp2:
0x37: {  	_ = 	snop;
	(pc) =	sbr.rel @p0 .LBB1_7-.Ltmp2, $1  }
0x38: {  	_ =	sdelay $0x3  }
0x39: {  	s0 =	sshll.u32 s10, $0x2;
	_ =	swait.ge [sflag:s5], $0x4000;
	s3 =	sshll.u32 s17, $0xE  }
0x3a: {  	p0 =	por $0x0, $0x0;
	s27 =	simm.s32 $0x0;
	s28 =	simm.s32 $0x0  }
0x3b: {  	s0 =	sand.u32 $0x10000, s0;
	[sflag:s5] =	ssyncset.done $0x0;
	s24 =	sand.u32 $0x4000, s3  }
0x3c: {  	s0 =	sshrl.u32 s0, $0x2;
	[sflag:s5] =	ssyncadd.s32 $0xFFFFC000;
	s21 =	sor.u32 $0x8000, s24  }
0x3d: {  	s22 =	sor.u32 $0x40, s0;
	s23 =	sor.u32 $0x8410, s0;
	s25 =	sadd.s32 $0x8400, s0  }
.LBB1_3:
0x3e: {  	v1 =	vld [tilespmem:s22+$0xFFFFFFD0]  }
0x3f: {  	v2 =	vld [tilespmem:s22+$0x430]  }
0x40: {  	s0 =	sshll.u32 s28, $0xB;
	v4 =	vld [tilespmem:s22+$0xFFFFFFE0]  }
0x41: {  	v7 =	vld [tilespmem:s22+$0xFFFFFFF0];
	v0 =	vmov s0  }
0x42: {  	v8 =	vld [tilespmem:s22+$0x0]  }
0x43: {  	s4 =	sand.u32 $0x300, s26;
	v9 =	vld [tilespmem:s22+$0x10]  }
0x44: {  	s3 =	sand.u32 $0x80, s26;
	v10 =	vld [tilespmem:s22+$0x20];
	s0 =	sadd.s32 s4, s24  }
0x45: {  	v11 =	vld [tilespmem:s22+$0x30];
	s0 =	sadd.s32 s3, s0;
	s3 =	simm.s32 $0x1;
	[tilespmem:s23+$0x60] =	vst v2  }
0x46: {  	s4 =	sshll.u32 s27, $0x2;
	s3 =	simm.s32 @!p0 $0x0;
	[tilespmem:s23+$0xFFFFFC00] =	vst v1;
	v3 =	vld.idx.msk [tilespmem:v0+s0+$0x400 ss:$0x1], $0xffff  }
0x47: {  	v6 =	vld [tilespmem:s22+$0x3D0];
	s3 =	sshll.u32 s3, $0x9;
	[tilespmem:s23+$0xFFFFFC10] =	vst v4;
	s0 =	sand.u32 $0xFFFFFC00, s4  }
0x48: {  	v5 =	vld [tilespmem:s22+$0x3E0];
	[tilespmem:s23+$0xFFFFFC20] =	vst v7;
	s0 =	sor.u32 s3, s0  }
0x49: {  	[tilespmem:s23+$0xFFFFFC30] =	vst v8;
	v4 =	vld [tilespmem:s22+$0x400];
	s0 =	sshrl.u32 s0, $0x2  }
0x4a: {  	[tilespmem:s23+$0xFFFFFC40] =	vst v9;
	v1 =	vld [tilespmem:s22+$0x410];
	s29 =	sadd.s32 s0, s25  }
0x4b: {  	[tilespmem:s29+$0x0] =	vst v3;
	v3 =	vld [tilespmem:s22+$0x3F0]  }
0x4c: {  	s30 =	sadd.s32 $0x80, s22;
	[tilespmem:s23+$0xFFFFFC50] =	vst v10;
	v2 =	vld [tilespmem:s22+$0x420];
	s0 =	simm.s32 $0x80  }
0x4d: {  	s31 =	smov.u32 s23;
	v7 =	vld [tilespmem:s22+$0xFFFFFFC0];
	[tilespmem:s23+$0xFFFFFC60] =	vst v11;
	s3 =	simm.s32 $0x100;
	s4 =	sand.u32 $0x300, s0  }
.LBB1_4:
0x4e: {  	p1 =	sne.s32 s3, $0x380;
	v8 =	vld [tilespmem:s30+$0xFFFFFFD0];
	s0 =	sand.u32 $0x80, s0;
	s4 =	sadd.s32 s4, s24;
	[tilespmem:s31+$0x0] =	vst v6  }
0x4f: {  	s4 =	sadd.s32 s0, s4;
	v6 =	vld [tilespmem:s30+$0x430];
	[tilespmem:s31+$0x10] =	vst v5;
	s0 =	smov.u32 s3  }
0x50: {  	v5 =	vld.idx.msk [tilespmem:v0+s4+$0x400 ss:$0x1], $0xffff;
	[tilespmem:s31+$0x20] =	vst v3  }
0x51: {  	v3 =	vld [tilespmem:s30+$0xFFFFFFE0];
	[tilespmem:s31+$0x30] =	vst v4  }
0x52: {  	v4 =	vld [tilespmem:s30+$0xFFFFFFF0];
	[tilespmem:s31+$0xFFFFFBF0] =	vst v7  }
0x53: {  	v7 =	vld [tilespmem:s30+$0x0];
	[tilespmem:s31+$0x40] =	vst v1  }
0x54: {  	v1 =	vld [tilespmem:s30+$0x10];
	[tilespmem:s31+$0x50] =	vst v2;
	s31 =	sadd.s32 $0x800, s31  }
0x55: {  	s29 =	sadd.s32 $0x800, s29;
	v2 =	vld [tilespmem:s30+$0x20];
	[tilespmem:s31+$0x60] =	vst v6  }
0x56: {  	v9 =	vld [tilespmem:s30+$0x30];
	[tilespmem:s29+$0x0] =	vst v5  }
0x57: {  	[tilespmem:s31+$0xFFFFFC00] =	vst v8;
	v6 =	vld [tilespmem:s30+$0x3D0]  }
0x58: {  	[tilespmem:s31+$0xFFFFFC10] =	vst v3;
	v5 =	vld [tilespmem:s30+$0x3E0]  }
.Ltmp3:
0x59: {  	[tilespmem:s31+$0xFFFFFC20] =	vst v4;
	v3 =	vld [tilespmem:s30+$0x3F0];
	(pc) =	sbr.rel @p1 .LBB1_4-.Ltmp3, $4  }
0x5a: {  	[tilespmem:s31+$0xFFFFFC30] =	vst v7;
	v4 =	vld [tilespmem:s30+$0x400]  }
0x5b: {  	[tilespmem:s31+$0xFFFFFC40] =	vst v1;
	v1 =	vld [tilespmem:s30+$0x410]  }
0x5c: {  	[tilespmem:s31+$0xFFFFFC50] =	vst v2;
	v2 =	vld [tilespmem:s30+$0x420]  }
0x5d: {  	s3 =	sadd.s32 $0x80, s3;
	s4 =	sand.u32 $0x300, s0;
	v7 =	vld [tilespmem:s30+$0xFFFFFFC0];
	[tilespmem:s31+$0xFFFFFC60] =	vst v9;
	s30 =	sadd.s32 $0x80, s30  }
0x5e: {  	[tilespmem:s31+$0x0] =	vst v6  }
0x5f: {  	[tilespmem:s31+$0x10] =	vst v5  }
0x60: {  	v49 =	vld [tilespmem:s30+$0x430];
	[tilespmem:s31+$0x20] =	vst v3  }
0x61: {  	v50 =	vld [tilespmem:s30+$0xFFFFFFD0];
	[tilespmem:s31+$0x30] =	vst v4  }
0x62: {  	v51 =	vld [tilespmem:s30+$0xFFFFFFE0];
	[tilespmem:s31+$0x40] =	vst v1  }
0x63: {  	v52 =	vld [tilespmem:s30+$0xFFFFFFF0];
	[tilespmem:s31+$0x50] =	vst v2  }
0x64: {  	s3 =	sadd.s32 s4, s24;
	s4 =	sadd.s32 $0x800, s31;
	v53 =	vld [tilespmem:s30+$0x0];
	[tilespmem:s31+$0xFFFFFBF0] =	vst v7  }
0x65: {  	v54 =	vld [tilespmem:s30+$0x10];
	[tilespmem:s4+$0x60] =	vst v49  }
0x66: {  	v55 =	vld [tilespmem:s30+$0x20];
	[tilespmem:s4+$0xFFFFFC00] =	vst v50  }
0x67: {  	v56 =	vld [tilespmem:s30+$0x30];
	[tilespmem:s4+$0xFFFFFC10] =	vst v51  }
0x68: {  	v57 =	vld [tilespmem:s30+$0x3D0];
	[tilespmem:s4+$0xFFFFFC20] =	vst v52  }
0x69: {  	v58 =	vld [tilespmem:s30+$0x3E0];
	[tilespmem:s4+$0xFFFFFC30] =	vst v53  }
0x6a: {  	v59 =	vld [tilespmem:s30+$0x3F0];
	[tilespmem:s4+$0xFFFFFC40] =	vst v54  }
0x6b: {  	v60 =	vld [tilespmem:s30+$0x400];
	[tilespmem:s4+$0xFFFFFC50] =	vst v55  }
0x6c: {  	v61 =	vld [tilespmem:s30+$0xFFFFFFC0];
	[tilespmem:s4+$0xFFFFFC60] =	vst v56  }
0x6d: {  	s0 =	sand.u32 $0x80, s0;
	v62 =	vld [tilespmem:s30+$0x410];
	[tilespmem:s4+$0x0] =	vst v57  }
0x6e: {  	v63 =	vld [tilespmem:s30+$0x420];
	s28 =	sadd.s32 $0x1, s28;
	s0 =	sadd.s32 s0, s3;
	[tilespmem:s4+$0x10] =	vst v58  }
0x6f: {  	p1 =	sne.s32 s28, $0x8;
	v0 =	vld.idx.msk [tilespmem:v0+s0+$0x400 ss:$0x1], $0xffff;
	[tilespmem:s4+$0x20] =	vst v59  }
.Ltmp4:
0x70: {  	[tilespmem:s4+$0x30] =	vst v60;
	(pc) =	sbr.rel @p1 .LBB1_3-.Ltmp4, $4  }
0x71: {  	[tilespmem:s4+$0xFFFFFBF0] =	vst v61  }
0x72: {  	[tilespmem:s4+$0x40] =	vst v62  }
0x73: {  	s22 =	sadd.s32 $0x800, s22;
	s31 =	sadd.s32 $0x800, s29;
	[tilespmem:s4+$0x50] =	vst v63  }
0x74: {  	s27 =	sadd.s32 $0x80, s27;
	p0 =	por !p0, !p0;
	s23 =	sadd.s32 $0x80, s23;
	[tilespmem:s31+$0x0] =	vst v0  }
0x75: {  	s0 =	sand.u32 $0x78, s11  }
0x76: {  	s3 =	sshll.u32 s13, $0x7;
	p0 =	sgt.s32 s12, $0x7C;
	s4 =	smov.u32 s12  }
0x77: {  	s22 =	sshra.s32 s12, $0x1F;
	s27 =	sshra.s32 s13, $0x1F;
	s28 =	sshra.s32 s11, $0x1F  }
0x78: {  	s24 =	sshll.u32 s13, $0xD;
	s29 =	sshll.u32 s11, $0x3;
	s3 =	sand.u32 $0x380, s3  }
0x79: {  	s4 =	simm.s32 @!p0 $0x7C;
	s25 =	sand.u32 s22, s12;
	p0 =	sgt.s32 s13, $0x8  }
0x7a: {  	s22 =	sand.u32 s27, s13;
	s24 =	sand.u32 $0x10000, s24;
	s31 =	sand.u32 $0x1C00, s29  }
0x7b: {  	s0 =	sor.u32 s3, s0;
	s3 =	ssub.s32 s4, s25;
	s4 =	smov.u32 s13  }
0x7c: {  	s25 =	sshll.u32 s12, $0xE;
	s23 =	sadd.s32 $0xFFFFFF84, s3;
	s4 =	simm.s32 @!p0 $0x8  }
0x7d: {  	s3 =	ssub.s32 $0x84, s3;
	s0 =	sor.u32 s31, s0;
	p0 =	sgt.s32 s23, $0x7  }
0x7e: {  	s4 =	ssub.s32 s4, s22;
	s23 =	smov.u32 s11;
	s3 =	simm.s32 @p0 $0x0  }
0x7f: {  	s22 =	sadd.s32 $0xFFFFFFF8, s4;
	p0 =	sgt.s32 s11, $0x1F00;
	s4 =	ssub.s32 $0x10, s4  }
0x80: {  	s23 =	simm.s32 @!p0 $0x1F00;
	p0 =	sgt.s32 s22, $0x7;
	s22 =	sand.u32 s28, s11  }
0x81: {  	s28 =	rddreg [dreg:$0x1];
	s4 =	simm.s32 @p0 $0x0;
	s22 =	ssub.s32 s23, s22  }
0x82: {  	s23 =	sadd.s32 s24, s29;
	s29 =	sand.u32 $0x7, s11;
	s30 =	sadd.s32 $0xFFFFE100, s22  }
0x83: {  	s3 =	smul.u32 s4, s3;
	s22 =	ssub.s32 $0x2000, s22;
	p0 =	sgt.s32 s30, $0xFF  }
.Ltmp5:
0x84: {  	s27 =	sshrl.u32 s23, $0x3;
	s22 =	simm.s32 @p0 $0x0;
	(pc) =	sbr.rel .LBB1_7-.Ltmp5, $4  }
0x85: {  	s4 =	sadd.s32 s28, s25;
	s3 =	smul.u32 s22, s3;
	s22 =	sand.u32 $0x3C00, s27  }
0x86: {  	s0 =	sshrl.u32 s0, $0x3;
	s30 =	sshll.u32 s29, $0x12;
	s4 =	sadd.s32 s22, s4  }
0x87: {  	s31 =	sor.u32 $0x800, s30;
	s3 =	sand.u32 $0x3FFFFFFF, s3;
	s0 =	sadd.s32 s0, s4  }
0x88: {  	[hbm4b:s0+s31] =	stream.strided.scatter [tilespmem:s21], [sflag:$0x2], s3, s9, s31, $0x38;
	[tilespmem:$0x10000] =	vst v63  }
.LBB1_8:
0x89: {  	_ =	sfence.sel $0x180000  }
0x8a: {  	s0 =	simm.s32 $0x1;
	[bflag:$0x0] =	sbarrier.arrive $0xFFFF  }
0x8b: {  	s30 =	simm.s32 $0x2;
	[sflag:s0] =	ssyncpa.u1 $0x1  }
0x8c: {  	[sflag:s30] =	ssyncpa.u1 $0x1  }
0x8d: {  	_ =	strace $0x90000047  }
0x8e: {  	s31 =	stileid.u32;
	[bflag:$0x2] =	sbarrier.arrive $0xFFFF  }
0x8f: {  	p0 =	sne.s32 s31, $0x0;
	s0 =	rddreg [dreg:$0x2]  }
0x90: {  	s0 =	sadd.s32 @!p0 $0x100000, s0  }
0x91: {  	[sflag:s0] =	ssyncadd.tile.s32 @!p0 $0x1;
	_ =	shalt  }
.Lfunc_end1:
_tile_overlayer_lowered:
.L_overlay_start_2:
0x92: {  	(tag) =	ssettag $0x2  }
0x93: {  	s0 =	rddreg [dreg:$0x0];
	s2 =	stileid.u32  }
0x94: {  	s1 =	rddreg [dreg:$0x1];
	p0 =	sne.s32 s2, $0x0  }
0x95: {  	s3 =	rddreg [dreg:$0x2];
	[bflag:$0x3] =	sbarrier.arrive $0xFFFF;
	s2 =	simm.s32 @!p0 $0x1C01  }
0x96: {  	[timem:s3], [sflag:s2] =	dma.local @!p0 [hbm:s0], s1  }
0x97: {  	s0 =	simm.s32 @!p0 $0x1  }
0x98: {  	_ =	swait.ge @!p0 [sflag:s0], s1  }
0x99: {  	s1 =	ssub.s32 @!p0 $0x0, s1;
	[sflag:s0] =	ssyncset.done @!p0 $0x0  }
0x9a: {  	[sflag:s0] =	ssyncadd.s32 @!p0 s1  }
0x9b: {  	[bflag:$0x3] =	sbarrier.arrive $0xFFFF  }
0x9c: {  	_ =	shalt  }

</sc_bundles>
